<compile_context>
chip_gen: v7x
topology: tpu7x:2x2x1
jax: 0.10.2.dev20260603
libtpu: 0.0.44.dev20260713+nightly
codegen_flags: <defaults>
</compile_context>

<pallas_src>
import functools

import jax
import jax.numpy as jnp
from jax import lax
from jax.experimental import pallas as pl
from jax.experimental.pallas import tpu as pltpu
from jax.experimental.pallas import tpu_sc as plsc

BATCH = 16384
N_USERS = 1500
N_ITEMS = 2000
DIM = 3

_INTERP = False
_INFO = plsc.get_sparse_core_info()
_NC = _INFO.num_cores
_NS = _INFO.num_subcores
_L = _INFO.num_lanes
_NW = _NC * _NS
_BPW = BATCH // _NW
_NVEC = _BPW // _L

_TBL = (N_USERS + N_ITEMS) * DIM
_CH = 656
_CHL = _TBL - 15 * _CH


def _sc_body(data_hbm, tbl_hbm, out_hbm, t_s, t_v, ui_v, vi_v, out_v,
             sem, sem2):
    wid = lax.axis_index("s") * _NC + lax.axis_index("c")
    sid = lax.axis_index("s")
    base = wid * _BPW

    c3 = pltpu.async_copy(data_hbm.at[0, pl.ds(base, _BPW)], ui_v, sem2)
    c4 = pltpu.async_copy(data_hbm.at[1, pl.ds(base, _BPW)], vi_v, sem2)
    cc = pltpu.async_copy(tbl_hbm.at[pl.ds(sid * _CH, _CHL)],
                          t_v.at[pl.ds(sid * _CH, _CHL)], sem)
    cc.wait()
    cs = pltpu.async_copy(t_v.at[pl.ds(sid * _CH, _CHL)],
                          t_s.at[pl.ds(sid * _CH, _CHL)], sem)
    cs.wait()
    plsc.subcore_barrier()
    ct = pltpu.async_copy(t_s, t_v, sem)
    ct.wait()
    c3.wait()
    c4.wait()

    dim = jnp.full((_L,), DIM, jnp.int32)
    voff = jnp.full((_L,), N_USERS * DIM, jnp.int32)
    one = jnp.full((_L,), 1, jnp.int32)

    def step(i, _):
        off = pl.multiple_of(i * _L, _L)
        ui = ui_v[pl.ds(off, _L)] * dim
        vi = vi_v[pl.ds(off, _L)] * dim + voff
        acc = plsc.load_gather(t_v, [ui]) * plsc.load_gather(t_v, [vi])
        for _c in range(1, DIM):
            ui = ui + one
            vi = vi + one
            acc += plsc.load_gather(t_v, [ui]) * plsc.load_gather(t_v, [vi])
        out_v[pl.ds(off, _L)] = acc
        return ()

    lax.fori_loop(0, _NVEC, step, ())

    pltpu.sync_copy(out_v, out_hbm.at[pl.ds(base, _BPW)])


_sc_kernel = functools.partial(
    pl.kernel,
    out_type=jax.ShapeDtypeStruct((BATCH,), jnp.float32),
    mesh=plsc.VectorSubcoreMesh(core_axis_name="c", subcore_axis_name="s"),
    compiler_params=pltpu.CompilerParams(needs_layout_passes=False),
    interpret=_INTERP,
    scratch_types=[
        pltpu.VMEM_SHARED((_TBL,), jnp.float32),
        pltpu.VMEM((_TBL,), jnp.float32),
        pltpu.VMEM((_BPW,), jnp.int32),
        pltpu.VMEM((_BPW,), jnp.int32),
        pltpu.VMEM((_BPW,), jnp.float32),
        pltpu.SemaphoreType.DMA,
        pltpu.SemaphoreType.DMA,
    ],
)(_sc_body)


@jax.jit
def kernel(data, user_factors, item_factors):
    tbl = jnp.concatenate(
        [user_factors, item_factors], axis=0).reshape(-1)
    return _sc_kernel(data.astype(jnp.int32), tbl)

# --- scband reference (transcript-rebuilt; emitter-appended) ---
"""Pipeline reference for scband-matrix-factorization-47966194761834 (READ-ONLY COPY).

The authoritative reference and input builder live on the scoring server;
editing this copy changes nothing except your own understanding.
"""

import jax, jax.numpy as jnp
import numpy as np

BATCH = 16384
N_USERS = 1500
N_ITEMS = 2000
DIM = 3

def setup_inputs(seed: int = 0) -> dict:
    key = jax.random.key(seed)
    k1, k2, k3 = jax.random.split(key, 3)
    data = jax.random.randint(k1, (2, BATCH), 0, N_USERS, dtype=jnp.int64)
    user_factors = jax.random.normal(k2, (N_USERS, DIM), dtype=jnp.float32)
    item_factors = jax.random.normal(k3, (N_ITEMS, DIM), dtype=jnp.float32)
    return {"data": data, "user_factors": user_factors, "item_factors": item_factors}

def reference(data, user_factors, item_factors):
    user = data[0]
    item = data[1]
    u = jnp.take(user_factors, user, axis=0)
    v = jnp.take(item_factors, item, axis=0)
    return (u * v).sum(1)

if __name__ == "__main__":
    import jax
    _d = setup_inputs()
    print(jax.jit(kernel)(*tuple(_d.values())))

</pallas_src>

<mosaic_0001>
#map = affine_map<(d0, d1) -> (0, 0)>
#map1 = affine_map<(d0, d1) -> (0)>
module attributes {stable_mosaic.version = 14 : i64} {
  func.func @_sc_body(%arg0: i32, %arg1: i32, %arg2: memref<2x16384xi32, #tpu.memory_space<hbm>>, %arg3: memref<10500xf32, #tpu.memory_space<hbm>>, %arg4: memref<16384xf32, #tpu.memory_space<hbm>>, %arg5: memref<10500xf32, #tpu.memory_space<vmem_shared>>, %arg6: memref<10500xf32, #tpu.memory_space<vmem>>, %arg7: memref<512xi32, #tpu.memory_space<vmem>>, %arg8: memref<512xi32, #tpu.memory_space<vmem>>, %arg9: memref<512xf32, #tpu.memory_space<vmem>>, %arg10: memref<!tpu.dma_semaphore, #tpu.memory_space<semaphore_mem>>, %arg11: memref<!tpu.dma_semaphore, #tpu.memory_space<semaphore_mem>>) attributes {dimension_semantics = [#tpu.dimension_semantics<core_parallel>, #tpu.dimension_semantics<subcore_parallel>], iteration_bounds = array<i64: 2, 16>, scalar_prefetch = 0 : i64, scratch_operands = 7 : i64, tpu.core_type = #tpu.core_type<sc_vector_subcore>, window_params = [{transform_indices = #map}, {transform_indices = #map1}, {transform_indices = #map1}]} {
    %mul3A = arith.constant 2 : i32
    %mul3A_0 = arith.muli %arg1, %mul3A : i32
    %add3A = arith.addi %mul3A_0, %arg0 : i32
    %mul3A_1 = arith.constant 512 : i32
    %mul3A_2 = arith.muli %add3A, %mul3A_1 : i32
    %dma_start3A = arith.constant 0 : i32
    %dma_start3A_3 = tpu.memref_slice %arg2[%dma_start3A, %mul3A_2] : memref<2x16384xi32, #tpu.memory_space<hbm>> -> memref<1x512xi32, #tpu.memory_space<hbm>>
    %dma_start3A_4 = tpu.memref_squeeze %dma_start3A_3 : memref<1x512xi32, #tpu.memory_space<hbm>> -> memref<512xi32, #tpu.memory_space<hbm>>
    %dma_start3A_5 = tpu.memref_slice %arg2[%dma_start3A, %mul3A_2] : memref<2x16384xi32, #tpu.memory_space<hbm>> -> memref<1x512xi32, #tpu.memory_space<hbm>>
    %dma_start3A_6 = tpu.memref_squeeze %dma_start3A_5 : memref<1x512xi32, #tpu.memory_space<hbm>> -> memref<512xi32, #tpu.memory_space<hbm>>
    tpu.enqueue_dma source(%dma_start3A_6 : memref<512xi32, #tpu.memory_space<hbm>>) target(%arg7 : memref<512xi32, #tpu.memory_space<vmem>>) target_semaphore(%arg11 : memref<!tpu.dma_semaphore, #tpu.memory_space<semaphore_mem>>)
    %dma_start3A_7 = arith.constant 1 : i32
    %dma_start3A_8 = tpu.memref_slice %arg2[%dma_start3A_7, %mul3A_2] : memref<2x16384xi32, #tpu.memory_space<hbm>> -> memref<1x512xi32, #tpu.memory_space<hbm>>
    %dma_start3A_9 = tpu.memref_squeeze %dma_start3A_8 : memref<1x512xi32, #tpu.memory_space<hbm>> -> memref<512xi32, #tpu.memory_space<hbm>>
    %dma_start3A_10 = tpu.memref_slice %arg2[%dma_start3A_7, %mul3A_2] : memref<2x16384xi32, #tpu.memory_space<hbm>> -> memref<1x512xi32, #tpu.memory_space<hbm>>
    %dma_start3A_11 = tpu.memref_squeeze %dma_start3A_10 : memref<1x512xi32, #tpu.memory_space<hbm>> -> memref<512xi32, #tpu.memory_space<hbm>>
    tpu.enqueue_dma source(%dma_start3A_11 : memref<512xi32, #tpu.memory_space<hbm>>) target(%arg8 : memref<512xi32, #tpu.memory_space<vmem>>) target_semaphore(%arg11 : memref<!tpu.dma_semaphore, #tpu.memory_space<semaphore_mem>>)
    %mul3A_12 = arith.constant 656 : i32
    %mul3A_13 = arith.muli %arg1, %mul3A_12 : i32
    %mul3A_14 = arith.constant 656 : i32
    %mul3A_15 = arith.muli %arg1, %mul3A_14 : i32
    %dma_start3A_16 = tpu.memref_slice %arg6[%mul3A_15] : memref<10500xf32, #tpu.memory_space<vmem>> -> memref<660xf32, #tpu.memory_space<vmem>>
    %dma_start3A_17 = tpu.memref_slice %arg3[%mul3A_13] : memref<10500xf32, #tpu.memory_space<hbm>> -> memref<660xf32, #tpu.memory_space<hbm>>
    %dma_start3A_18 = tpu.memref_slice %arg6[%mul3A_15] : memref<10500xf32, #tpu.memory_space<vmem>> -> memref<660xf32, #tpu.memory_space<vmem>>
    %dma_start3A_19 = tpu.memref_slice %arg3[%mul3A_13] : memref<10500xf32, #tpu.memory_space<hbm>> -> memref<660xf32, #tpu.memory_space<hbm>>
    tpu.enqueue_dma source(%dma_start3A_19 : memref<660xf32, #tpu.memory_space<hbm>>) target(%dma_start3A_18 : memref<660xf32, #tpu.memory_space<vmem>>) target_semaphore(%arg10 : memref<!tpu.dma_semaphore, #tpu.memory_space<semaphore_mem>>)
    %dma_wait3A = tpu.memref_slice %arg6[%mul3A_15] : memref<10500xf32, #tpu.memory_space<vmem>> -> memref<660xf32, #tpu.memory_space<vmem>>
    %dma_wait3A_20 = tpu.memref_slice %arg3[%mul3A_13] : memref<10500xf32, #tpu.memory_space<hbm>> -> memref<660xf32, #tpu.memory_space<hbm>>
    %dma_wait3A_21 = tpu.memref_slice %arg6[%mul3A_15] : memref<10500xf32, #tpu.memory_space<vmem>> -> memref<660xf32, #tpu.memory_space<vmem>>
    %dma_wait3A_22 = tpu.memref_slice %arg3[%mul3A_13] : memref<10500xf32, #tpu.memory_space<hbm>> -> memref<660xf32, #tpu.memory_space<hbm>>
    tpu.wait_dma2 semaphore(%arg10 : memref<!tpu.dma_semaphore, #tpu.memory_space<semaphore_mem>>) src(%dma_wait3A_22 : memref<660xf32, #tpu.memory_space<hbm>>) dst(%dma_wait3A_21 : memref<660xf32, #tpu.memory_space<vmem>>)
    %mul3A_23 = arith.constant 656 : i32
    %mul3A_24 = arith.muli %arg1, %mul3A_23 : i32
    %mul3A_25 = arith.constant 656 : i32
    %mul3A_26 = arith.muli %arg1, %mul3A_25 : i32
    %dma_start3A_27 = tpu.memref_slice %arg6[%mul3A_24] : memref<10500xf32, #tpu.memory_space<vmem>> -> memref<660xf32, #tpu.memory_space<vmem>>
    %dma_start3A_28 = tpu.memref_slice %arg5[%mul3A_26] : memref<10500xf32, #tpu.memory_space<vmem_shared>> -> memref<660xf32, #tpu.memory_space<vmem_shared>>
    %dma_start3A_29 = tpu.memref_slice %arg5[%mul3A_26] : memref<10500xf32, #tpu.memory_space<vmem_shared>> -> memref<660xf32, #tpu.memory_space<vmem_shared>>
    %dma_start3A_30 = tpu.memref_slice %arg6[%mul3A_24] : memref<10500xf32, #tpu.memory_space<vmem>> -> memref<660xf32, #tpu.memory_space<vmem>>
    tpu.enqueue_dma source(%dma_start3A_30 : memref<660xf32, #tpu.memory_space<vmem>>) target(%dma_start3A_29 : memref<660xf32, #tpu.memory_space<vmem_shared>>) target_semaphore(%arg10 : memref<!tpu.dma_semaphore, #tpu.memory_space<semaphore_mem>>)
    %dma_wait3A_31 = tpu.memref_slice %arg6[%mul3A_24] : memref<10500xf32, #tpu.memory_space<vmem>> -> memref<660xf32, #tpu.memory_space<vmem>>
    %dma_wait3A_32 = tpu.memref_slice %arg5[%mul3A_26] : memref<10500xf32, #tpu.memory_space<vmem_shared>> -> memref<660xf32, #tpu.memory_space<vmem_shared>>
    %dma_wait3A_33 = tpu.memref_slice %arg5[%mul3A_26] : memref<10500xf32, #tpu.memory_space<vmem_shared>> -> memref<660xf32, #tpu.memory_space<vmem_shared>>
    %dma_wait3A_34 = tpu.memref_slice %arg6[%mul3A_24] : memref<10500xf32, #tpu.memory_space<vmem>> -> memref<660xf32, #tpu.memory_space<vmem>>
    tpu.wait_dma2 semaphore(%arg10 : memref<!tpu.dma_semaphore, #tpu.memory_space<semaphore_mem>>) src(%dma_wait3A_34 : memref<660xf32, #tpu.memory_space<vmem>>) dst(%dma_wait3A_33 : memref<660xf32, #tpu.memory_space<vmem_shared>>)
    %barrier3A = arith.constant 0 : index
    tpu.barrier barrier_id(%barrier3A)
    tpu.enqueue_dma source(%arg5 : memref<10500xf32, #tpu.memory_space<vmem_shared>>) target(%arg6 : memref<10500xf32, #tpu.memory_space<vmem>>) target_semaphore(%arg10 : memref<!tpu.dma_semaphore, #tpu.memory_space<semaphore_mem>>)
    tpu.wait_dma2 semaphore(%arg10 : memref<!tpu.dma_semaphore, #tpu.memory_space<semaphore_mem>>) src(%arg5 : memref<10500xf32, #tpu.memory_space<vmem_shared>>) dst(%arg6 : memref<10500xf32, #tpu.memory_space<vmem>>)
    %dma_wait3A_35 = arith.constant 0 : i32
    %dma_wait3A_36 = tpu.memref_slice %arg2[%dma_wait3A_35, %mul3A_2] : memref<2x16384xi32, #tpu.memory_space<hbm>> -> memref<1x512xi32, #tpu.memory_space<hbm>>
    %dma_wait3A_37 = tpu.memref_squeeze %dma_wait3A_36 : memref<1x512xi32, #tpu.memory_space<hbm>> -> memref<512xi32, #tpu.memory_space<hbm>>
    %dma_wait3A_38 = tpu.memref_slice %arg2[%dma_wait3A_35, %mul3A_2] : memref<2x16384xi32, #tpu.memory_space<hbm>> -> memref<1x512xi32, #tpu.memory_space<hbm>>
    %dma_wait3A_39 = tpu.memref_squeeze %dma_wait3A_38 : memref<1x512xi32, #tpu.memory_space<hbm>> -> memref<512xi32, #tpu.memory_space<hbm>>
    tpu.wait_dma2 semaphore(%arg11 : memref<!tpu.dma_semaphore, #tpu.memory_space<semaphore_mem>>) src(%dma_wait3A_39 : memref<512xi32, #tpu.memory_space<hbm>>) dst(%arg7 : memref<512xi32, #tpu.memory_space<vmem>>)
    %dma_wait3A_40 = arith.constant 1 : i32
    %dma_wait3A_41 = tpu.memref_slice %arg2[%dma_wait3A_40, %mul3A_2] : memref<2x16384xi32, #tpu.memory_space<hbm>> -> memref<1x512xi32, #tpu.memory_space<hbm>>
    %dma_wait3A_42 = tpu.memref_squeeze %dma_wait3A_41 : memref<1x512xi32, #tpu.memory_space<hbm>> -> memref<512xi32, #tpu.memory_space<hbm>>
    %dma_wait3A_43 = tpu.memref_slice %arg2[%dma_wait3A_40, %mul3A_2] : memref<2x16384xi32, #tpu.memory_space<hbm>> -> memref<1x512xi32, #tpu.memory_space<hbm>>
    %dma_wait3A_44 = tpu.memref_squeeze %dma_wait3A_43 : memref<1x512xi32, #tpu.memory_space<hbm>> -> memref<512xi32, #tpu.memory_space<hbm>>
    tpu.wait_dma2 semaphore(%arg11 : memref<!tpu.dma_semaphore, #tpu.memory_space<semaphore_mem>>) src(%dma_wait3A_44 : memref<512xi32, #tpu.memory_space<hbm>>) dst(%arg8 : memref<512xi32, #tpu.memory_space<vmem>>)
    %broadcast_in_dim3A = arith.constant 3 : i32
    %broadcast_in_dim3A_45 = vector.broadcast %broadcast_in_dim3A : i32 to vector<16xi32>
    %broadcast_in_dim3A_46 = arith.constant 4500 : i32
    %broadcast_in_dim3A_47 = vector.broadcast %broadcast_in_dim3A_46 : i32 to vector<16xi32>
    %broadcast_in_dim3A_48 = arith.constant 1 : i32
    %broadcast_in_dim3A_49 = vector.broadcast %broadcast_in_dim3A_48 : i32 to vector<16xi32>
    %scan3A = arith.constant 0 : i32
    %scan3A_50 = arith.constant 32 : i32
    %scan3A_51 = arith.addi %scan3A, %scan3A_50 : i32
    %scan3A_52 = arith.constant 1 : i32
    scf.for %scan3A_54 = %scan3A to %scan3A_51 step %scan3A_52  : i32 {
      %mul3A_55 = arith.constant 16 : i32
      %mul3A_56 = arith.muli %scan3A_54, %mul3A_55 : i32
      %multiple_of3A = tpu.assume_multiple %mul3A_56, 16 : i32
      %get3A = arith.index_cast %multiple_of3A : i32 to index
      %get3A_57 = tpu.vector_load %arg7[%get3A] {strides = array<i32>} : memref<512xi32, #tpu.memory_space<vmem>>, vector<16xi32>,
      %mul3A_58 = arith.muli %get3A_57, %broadcast_in_dim3A_45 : vector<16xi32>
      %get3A_59 = arith.index_cast %multiple_of3A : i32 to index
      %get3A_60 = tpu.vector_load %arg8[%get3A_59] {strides = array<i32>} : memref<512xi32, #tpu.memory_space<vmem>>, vector<16xi32>,
      %mul3A_61 = arith.muli %get3A_60, %broadcast_in_dim3A_45 : vector<16xi32>
      %add3A_62 = arith.addi %mul3A_61, %broadcast_in_dim3A_47 : vector<16xi32>
      %gather3A = tpu.vector_load_idx %arg6[%mul3A_58] : memref<10500xf32, #tpu.memory_space<vmem>>[vector<16xi32>], vector<16xf32>,
      %gather3A_63 = tpu.vector_load_idx %arg6[%add3A_62] : memref<10500xf32, #tpu.memory_space<vmem>>[vector<16xi32>], vector<16xf32>,
      %mul3A_64 = arith.mulf %gather3A, %gather3A_63 : vector<16xf32>
      %add3A_65 = arith.addi %mul3A_58, %broadcast_in_dim3A_49 : vector<16xi32>
      %add3A_66 = arith.addi %add3A_62, %broadcast_in_dim3A_49 : vector<16xi32>
      %gather3A_67 = tpu.vector_load_idx %arg6[%add3A_65] : memref<10500xf32, #tpu.memory_space<vmem>>[vector<16xi32>], vector<16xf32>,
      %gather3A_68 = tpu.vector_load_idx %arg6[%add3A_66] : memref<10500xf32, #tpu.memory_space<vmem>>[vector<16xi32>], vector<16xf32>,
      %mul3A_69 = arith.mulf %gather3A_67, %gather3A_68 : vector<16xf32>
      %add3A_70 = arith.addf %mul3A_64, %mul3A_69 : vector<16xf32>
      %add3A_71 = arith.addi %add3A_65, %broadcast_in_dim3A_49 : vector<16xi32>
      %add3A_72 = arith.addi %add3A_66, %broadcast_in_dim3A_49 : vector<16xi32>
      %gather3A_73 = tpu.vector_load_idx %arg6[%add3A_71] : memref<10500xf32, #tpu.memory_space<vmem>>[vector<16xi32>], vector<16xf32>,
      %gather3A_74 = tpu.vector_load_idx %arg6[%add3A_72] : memref<10500xf32, #tpu.memory_space<vmem>>[vector<16xi32>], vector<16xf32>,
      %mul3A_75 = arith.mulf %gather3A_73, %gather3A_74 : vector<16xf32>
      %add3A_76 = arith.addf %add3A_70, %mul3A_75 : vector<16xf32>
      %swap3A = arith.index_cast %multiple_of3A : i32 to index
      %swap3A_77 = tpu.vector_load %arg9[%swap3A] {strides = array<i32>} : memref<512xf32, #tpu.memory_space<vmem>>, vector<16xf32>,
      tpu.vector_store %arg9[%swap3A], %add3A_76 {strides = array<i32>} : memref<512xf32, #tpu.memory_space<vmem>>, vector<16xf32>,
    }
    %scan3A_53 = arith.constant 32 : i32
    "tpu.region"() ({
      %run_scoped3A = tpu.sem_alloc : memref<!tpu.dma_semaphore, #tpu.memory_space<semaphore_mem>>
      %dma_start3A_54 = tpu.memref_slice %arg4[%mul3A_2] : memref<16384xf32, #tpu.memory_space<hbm>> -> memref<512xf32, #tpu.memory_space<hbm>>
      %dma_start3A_55 = tpu.memref_slice %arg4[%mul3A_2] : memref<16384xf32, #tpu.memory_space<hbm>> -> memref<512xf32, #tpu.memory_space<hbm>>
      tpu.enqueue_dma source(%arg9 : memref<512xf32, #tpu.memory_space<vmem>>) target(%dma_start3A_55 : memref<512xf32, #tpu.memory_space<hbm>>) target_semaphore(%run_scoped3A : memref<!tpu.dma_semaphore, #tpu.memory_space<semaphore_mem>>)
      %dma_wait3A_56 = tpu.memref_slice %arg4[%mul3A_2] : memref<16384xf32, #tpu.memory_space<hbm>> -> memref<512xf32, #tpu.memory_space<hbm>>
      %dma_wait3A_57 = tpu.memref_slice %arg4[%mul3A_2] : memref<16384xf32, #tpu.memory_space<hbm>> -> memref<512xf32, #tpu.memory_space<hbm>>
      tpu.wait_dma2 semaphore(%run_scoped3A : memref<!tpu.dma_semaphore, #tpu.memory_space<semaphore_mem>>) src(%arg9 : memref<512xf32, #tpu.memory_space<vmem>>) dst(%dma_wait3A_57 : memref<512xf32, #tpu.memory_space<hbm>>)
      tpu.yield
    }) : () -> ()
    return
  }
}

</mosaic_0001>

<sc_bundles>
// kernel: kernel.3.cloned.1.call-start
scs
__scs_entry_jumppad:
0x0: {  	(pc) =	sbr.rel $0x88, $3  }
0x1: {  	(tag) =	ssettag $0x0;
	lr =	simm.s32 $0x1  }
0x2: {  	[smem:$0x3F9E] =	sst lr;
	_ =	strace $0xD0000000  }
0x3: {  	_ = 	snop  }
0x4: {  	_ = 	snop  }
0x5: {  	_ = 	snop  }
0x6: {  	_ = 	snop  }
0x7: {  	_ = 	snop  }
__scs_overlays_trampoline_lowered:
0x8: {  	[smem:$0x3FAD] =	sst s0  }
0x9: {  	[smem:$0x3FAE] =	sst s1  }
0xa: {  	[smem:$0x3FAF] =	sst s2  }
0xb: {  	[smem:$0x3FB0] =	sst s3  }
0xc: {  	[smem:$0x3FB1] =	sst s4  }
0xd: {  	[smem:$0x3FB2] =	sst s5  }
0xe: {  	[smem:$0x3FB3] =	sst s6  }
0xf: {  	[smem:$0x3FB4] =	sst s7  }
0x10: {  	[smem:$0x3FB5] =	sst s8  }
0x11: {  	[smem:$0x3FB6] =	sst s9;
	s0 =	simm.s32 @!p0 $0x0  }
0x12: {  	s1 =	sld [smem:$0x3F9C];
	s0 =	simm.s32 @p0 $0x1  }
0x13: {  	[smem:$0x3FB7] =	sst s0;
	s0 =	simm.s32 @!p1 $0x0  }
0x14: {  	s2 =	sld [smem:$0x3F9B];
	s0 =	simm.s32 @p1 $0x1  }
0x15: {  	[smem:$0x3FB8] =	sst s0;
	s0 =	simm.s32 @!p2 $0x0  }
0x16: {  	s3 =	sld [smem:$0x3FDB];
	s0 =	simm.s32 @p2 $0x1  }
0x17: {  	s4 =	simm.s32 $0x1BF5;
	[smem:$0x3FBA] =	sst s0  }
0x18: {  	s0 =	sld [smem:$0x3F9D];
	_ =	swait.ge [sflag:s4], $0x0  }
0x19: {  	s7 =	sld [smem:$0x3F9E]  }
0x1a: {  	s8 =	sadd.s32 $0xFFFFE003, lr  }
0x1b: {  	s9 =	sadd.s32 $0xFFFFFEF7, lr;
	s5 =	simm.s32 $0xFFFFFFFF;
	p2 =	slt.u32 s8, $0xFFFFF086  }
0x1c: {  	p1 =	slt.u32 s9, $0xF7A;
	s5 =	simm.s32 @!p2 $0x0  }
0x1d: {  	s5 =	simm.s32 @p1 $0x1;
	p0 =	seq.s32 s7, s2  }
0x1e: {  	s7 =	smul.u32 @!p0 $0xF7A, s2;
	p2 =	seq.s32 @!p0 s5, $0x0  }
0x1f: {  	s9 =	smul.u32 $0xF7A, s1;
	s8 =	simm.s32 @!p0 $0x1BF5;
	p2 =	por !p2, p0  }
0x20: {  	[sflag:s8] =	ssyncset.s32 @!p0 $0xFFFFF086;
	s6 =	sadd.s32 @!p0 s3, s7;
	s7 =	simm.s32 @!p0 $0x108  }
0x21: {  	s3 =	sadd.s32 s3, s9;
	s6 =	sadd.s32 @!p0 $0x88, s6;
	s7 =	simm.s32 @p2 $0x1082  }
0x22: {  	[simem:s7], [sflag:s8] =	dma.local @!p0 [hbm:s6], $0xF7A  }
0x23: {  	s9 =	sor.u32 $0xD0000000, s2;
	s6 =	simm.s32 $0x108;
	_ =	swait.ge @!p0 [sflag:s8], $0x0  }
0x24: {  	s3 =	sadd.s32 $0x88, s3;
	s6 =	simm.s32 @!p1 $0x1082;
	[sflag:s4] =	ssyncset.s32 $0xFFFFF086  }
0x25: {  	[simem:s6], [sflag:s4] =	dma.local [hbm:s3], $0xF7A  }
0x26: {  	[smem:$0x3F9E] =	sst s1;
	(tag) =	ssettag s2;
	_ =	strace s9  }
0x27: {  	s1 =	sld [smem:$0x3FAE]  }
0x28: {  	s2 =	sld [smem:$0x3FAF]  }
0x29: {  	s4 =	sld [smem:$0x3FB1]  }
0x2a: {  	p0 =	seq.s32 s5, $0x0;
	s5 =	sld [smem:$0x3FB2]  }
0x2b: {  	s6 =	sld [smem:$0x3FB3]  }
0x2c: {  	s7 =	sld [smem:$0x3FB4]  }
0x2d: {  	s3 =	simm.s32 $0x108;
	s8 =	sld [smem:$0x3FB5]  }
0x2e: {  	s3 =	simm.s32 @!p0 $0x1082;
	s9 =	sld [smem:$0x3FB6]  }
0x2f: {  	lr =	sadd.s32 s0, s3;
	s0 =	sld [smem:$0x3FAD]  }
0x30: {  	s3 =	sld [smem:$0x3FB0]  }
0x31: {  	[smem:$0x3FB9] =	sst s10  }
0x32: {  	s10 =	sld [smem:$0x3FB7];
	_ =	sdelay $0x3  }
0x33: {  	p0 =	seq.s32 s10, $0x1;
	s10 =	sld [smem:$0x3FB9];
	_ =	sdelay $0x3  }
0x34: {  	[smem:$0x3FB9] =	sst s10  }
0x35: {  	s10 =	sld [smem:$0x3FB8];
	_ =	sdelay $0x3  }
0x36: {  	p1 =	seq.s32 s10, $0x1;
	s10 =	sld [smem:$0x3FB9];
	_ =	sdelay $0x3  }
0x37: {  	[smem:$0x3FB9] =	sst s10  }
0x38: {  	s10 =	sld [smem:$0x3FBA]  }
0x39: {  	_ = 	snop;
	(pc) =	sbr.ind lr, $3  }
0x3a: {  	_ = 	snop  }
0x3b: {  	_ = 	snop  }
0x3c: {  	p2 =	seq.s32 s10, $0x1;
	s10 =	sld [smem:$0x3FB9]  }
0x3d: {  	_ =	shalt  }
0x3e: {  	_ =	shalt  }
0x3f: {  	_ =	shalt  }
0x40: {  	_ =	shalt  }
0x41: {  	_ =	shalt  }
0x42: {  	_ =	shalt  }
0x43: {  	_ =	shalt  }
0x44: {  	_ =	shalt  }
0x45: {  	_ =	shalt  }
0x46: {  	_ =	shalt  }
0x47: {  	_ =	shalt  }
0x48: {  	_ =	shalt  }
0x49: {  	_ =	shalt  }
0x4a: {  	_ =	shalt  }
0x4b: {  	_ =	shalt  }
0x4c: {  	_ =	shalt  }
0x4d: {  	_ =	shalt  }
0x4e: {  	_ =	shalt  }
0x4f: {  	_ =	shalt  }
0x50: {  	_ =	shalt  }
0x51: {  	_ =	shalt  }
0x52: {  	_ =	shalt  }
0x53: {  	_ =	shalt  }
0x54: {  	_ =	shalt  }
0x55: {  	_ =	shalt  }
0x56: {  	_ =	shalt  }
0x57: {  	_ =	shalt  }
0x58: {  	_ =	shalt  }
0x59: {  	_ =	shalt  }
0x5a: {  	_ =	shalt  }
0x5b: {  	_ =	shalt  }
0x5c: {  	_ =	shalt  }
0x5d: {  	_ =	shalt  }
0x5e: {  	_ =	shalt  }
0x5f: {  	_ =	shalt  }
0x60: {  	_ =	shalt  }
0x61: {  	_ =	shalt  }
0x62: {  	_ =	shalt  }
0x63: {  	_ =	shalt  }
0x64: {  	_ =	shalt  }
0x65: {  	_ =	shalt  }
0x66: {  	_ =	shalt  }
0x67: {  	_ =	shalt  }
0x68: {  	_ =	shalt  }
0x69: {  	_ =	shalt  }
0x6a: {  	_ =	shalt  }
0x6b: {  	_ =	shalt  }
0x6c: {  	_ =	shalt  }
0x6d: {  	_ =	shalt  }
0x6e: {  	_ =	shalt  }
0x6f: {  	_ =	shalt  }
0x70: {  	_ =	shalt  }
0x71: {  	_ =	shalt  }
0x72: {  	_ =	shalt  }
0x73: {  	_ =	shalt  }
0x74: {  	_ =	shalt  }
0x75: {  	_ =	shalt  }
0x76: {  	_ =	shalt  }
0x77: {  	_ =	shalt  }
0x78: {  	_ =	shalt  }
0x79: {  	_ =	shalt  }
0x7a: {  	_ =	shalt  }
0x7b: {  	_ =	shalt  }
0x7c: {  	_ =	shalt  }
0x7d: {  	_ =	shalt  }
0x7e: {  	_ =	shalt  }
0x7f: {  	_ =	shalt  }
0x80: {  	_ =	shalt  }
0x81: {  	_ =	shalt  }
0x82: {  	_ =	shalt  }
0x83: {  	_ =	shalt  }
0x84: {  	_ =	shalt  }
0x85: {  	_ =	shalt  }
0x86: {  	_ =	shalt  }
0x87: {  	_ =	shalt  }
.Lfunc_end0:
.L_simem_size_0:
called_computation_lowered:
.L_overlay_start_0:
0x88: {  	s2 =	sld [smem:$0x3FD9]  }
0x89: {  	s3 =	sld [smem:$0x3FFE];
	_ =	sdelay $0x1  }
0x8a: {  	s1 =	srdreg.scid  }
0x8b: {  	s0 =	sand.u32 $0x1, s1  }
0x8c: {  	s17 =	sshll.u32 s0, $0xA;
	s2 =	sadd.s32 s3, s2  }
0x8d: {  	s2 =	sadd.s32 s2, s17  }
0x8e: {  	[smem:$0x3FC5] =	sst s2  }
0x8f: {  	_ = 	snop  }
0x90: {  	s2 =	sld [smem:$0x3FC9]  }
0x91: {  	s18 =	sld [smem:$0x3FD0];
	(tm) =	ssettm $0x1  }
0x92: {  	s4 =	sld [smem:$0x3FFB];
	_ =	sdelay $0x3  }
0x93: {  	_ =	strace s4  }
0x94: {  	s4 =	sld [smem:$0x3FFC];
	_ =	sdelay $0x3  }
0x95: {  	_ =	strace s4  }
0x96: {  	s4 =	sld [smem:$0x3FFD];
	_ =	sdelay $0x3  }
0x97: {  	_ =	strace s4  }
0x98: {  	_ =	strace $0x8FFFFFFF  }
0x99: {  	s19 =	sld [smem:$0x3FDB];
	_ =	sdelay $0x1  }
0x9a: {  	s5 =	simm.s32 $_scs_section_size  }
0x9b: {  	s6 =	simm.s32 $_size__tile_overlayer_lowered;
	s7 =	simm.s32 $_tile_overlayer_lowered  }
0x9c: {  	s22 =	simm.s32 $0x1BFF;
	s21 =	sshll.u32 s7, $0x1;
	s4 =	sadd.s32 s5, s19  }
0x9d: {  	s8 =	simm.s32 $0x0;
	s20 =	sshll.u32 s6, $0x1;
	s6 =	sadd.s32 s21, s4  }
0x9e: {  	[timem:s8], [sflag:s22] =	dma.local [hbm:s6], s20  }
0x9f: {  	_ =	swait.ge [sflag:s22], s20  }
0xa0: {  	s5 =	ssub.s32 $0x0, s20;
	[sflag:s22] =	ssyncset.done $0x0  }
0xa1: {  	[sflag:s22] =	ssyncadd.s32 s5;
	_ =	sdelay $0x1  }
0xa2: {  	s23 =	simm.s32 $0x1B8B  }
0xa3: {  	_ =	swait.ge [sflag:s23], $0x1  }
0xa4: {  	[sflag:s23] =	ssyncset.done $0x0  }
0xa5: {  	s25 =	simm.s32 $0x1B8E;
	s24 =	sld [smem:$0x3FFE];
	[sflag:s23] =	ssyncadd.s32 $0xFFFFFFFF  }
0xa6: {  	s26 =	simm.s32 $execute0_lowered;
	[smem:$0x3FD2] =	sst s25  }
0xa7: {  	s6 =	sshll.u32 s26, $0x1;
	_ =	strace $0x80000046;
	[dreg:$0x1] =	wrdreg $0xFFFFFFFF  }
0xa8: {  	s28 =	simm.s32 $_size_execute0_lowered;
	s4 =	sadd.s32 s4, s6;
	[dreg:$0x0] =	wrdreg $0x0  }
0xa9: {  	s6 =	sshll.u32 s28, $0x1;
	[dreg:$0x2] =	wrdreg s4  }
0xaa: {  	[dreg:$0x3] =	wrdreg s6  }
0xab: {  	[dreg:$0x4] =	wrdreg $0xC0  }
0xac: {  	_ =	task [dreg:s8], $0x5FFFF  }
0xad: {  	[dreg:$0x1] =	wrdreg $0xFFFFFFFF  }
0xae: {  	[dreg:$0x0] =	wrdreg $0x60  }
0xaf: {  	[dreg:$0x2] =	wrdreg s2  }
0xb0: {  	[dreg:$0x3] =	wrdreg s24  }
0xb1: {  	[dreg:$0x4] =	wrdreg s18  }
0xb2: {  	[dreg:$0x5] =	wrdreg $0x0  }
0xb3: {  	[dreg:$0x6] =	wrdreg $0x9  }
0xb4: {  	_ =	task.clear_ibuf [dreg:s8], $0x7FFFF;
	_ =	strace $0x90000046  }
0xb5: {  	s29 =	simm.s32 $0x9;
	_ =	strace $0x80000048  }
0xb6: {  	_ =	swait.ge [sflag:s29], $0x1  }
0xb7: {  	[sflag:s29] =	ssyncadd.s32 $0xFFFFFFFF  }
0xb8: {  	_ =	strace $0x90000048  }
0xb9: {  	_ =	sfence  }
0xba: {  	s30 =	sld [smem:$0x0];
	_ =	sdelay $0x2  }
0xbb: {  	s31 =	sshll.u32 s1, $0xD;
	s1 =	sshrl.u32 s1, $0x2  }
0xbc: {  	s3 =	sand.u32 $0x4000, s31;
	s1 =	sadd.s32 s1, s30  }
0xbd: {  	s0 =	sor.u32 s3, s0;
	s1 =	sshll.u32 s1, $0x11  }
0xbe: {  	s0 =	sor.u32 s1, s0  }
0xbf: {  	s0 =	sadd.s32 $0x8F2B, s0  }
0xc0: {  	[sflag:s0] =	ssyncadd.remote.s32 $0x1  }
0xc1: {  	_ =	sfence.sel $0xFFFF  }
0xc2: {  	[dreg:$0x0] =	wrdreg $0xFFFFFFFF;
	(pc) =	sbr.abs _section_cstart, $3  }
0xc3: {  	[dreg:$0x1] =	wrdreg $0xFFFFFFFF  }
0xc4: {  	_ =	task.clear_ibuf [dreg:s8], $0x2FFFF;
	_ =	strace $0x9FFFFFFF  }
0xc5: {  	(tm) =	ssettm $0x7FFFFFFF  }
tec
execute0_lowered:
.L_overlay_start_1:
0x0: {  	(tag) =	ssettag $0x1  }
0x1: {  	s4 =	rddreg [dreg:$0x0]  }
0x2: {  	s5 =	rddreg [dreg:$0x1]  }
0x3: {  	s9 =	rddreg [dreg:$0x2]  }
0x4: {  	s1 =	rddreg [dreg:$0x3]  }
0x5: {  	s0 =	rddreg [dreg:$0x4];
	s3 =	simm.s32 $0x0  }
0x6: {  	s6 =	srdreg.scid;
	s2 =	stileid.u32;
	s12 =	simm.s32 $0x100  }
0x7: {  	s13 =	simm.s32 $0x2C18;
	s14 =	simm.s32 $0x2E18;
	s15 =	simm.s32 $0x1  }
0x8: {  	s16 =	simm.s32 $0x298;
	s17 =	simm.s32 $0x2;
	s18 =	simm.s32 $0x3018  }
0x9: {  	s19 =	simm.s32 $0x3;
	s20 =	simm.s32 $0x0;
	[smem:$0x7FF] =	sst s3  }
0xa: {  	s6 =	sand.u32 $0x1, s6;
	s8 =	smul.u32 $0x290, s2;
	s7 =	sshll.u32 s2, $0xA  }
0xb: {  	s10 =	sshll.u32 s6, $0x9;
	_ =	strace $0x80000047;
	s6 =	ssub.s32 $0x2, s6  }
0xc: {  	s10 =	sor.u32 s10, s7;
	s29 =	sshrl.u32 s8, $0x3;
	s30 =	sshrl.u32 s6, $0x1  }
0xd: {  	s11 =	sshrl.u32 s10, $0x2;
	s7 =	sadd.s32 s29, s5;
	s31 =	ssub.s32 s6, s30  }
0xe: {  	s6 =	sadd.s32 $0x298, s8;
	s8 =	sadd.s32 s8, s1;
	s10 =	sshrl.u32 s10, $0x3  }
0xf: {  	s4 =	sadd.s32 s4, s11;
	s7 =	sadd.s32 $0x400, s7;
	s9 =	sadd.s32 s9, s10  }
0x10: {  	s10 =	smax.u32 s31, $0x1;
	s11 =	simm.s32 $0x80;
	s5 =	sadd.s32 $0x10, s4  }
.LBB2_1:
0x11: {  	[tilespmem:s13], [sflag:$0x2] =	stream.strided.gather [hbm4b:s4+s11], $0x200, s12, s11, $0x38;
	[tilespmem:$0x3218] =	vst v63  }
0x12: {  	_ = 	snop  }
0x13: {  	[tilespmem:s14], [sflag:$0x2] =	stream.strided.gather [hbm4b:s5+s11], $0x200, s12, s11, $0x38;
	[tilespmem:$0x3218] =	vst v63  }
0x14: {  	_ = 	snop  }
0x15: {  	[tilespmem:s6], [sflag:$0x1] =	stream.linear.gather [hbm4b:s7+s3], $0x294, $0x38;
	[tilespmem:$0x3218] =	vst v63  }
0x16: {  	_ =	swait.ge [sflag:s15], $0x294  }
0x17: {  	[sflag:s15] =	ssyncset.done $0x0  }
0x18: {  	[sflag:s15] =	ssyncadd.s32 $0xFFFFFD6C  }
0x19: {  	[spmem:s8] =	stream.linear.scatter [tilespmem:s6], [sflag:$0x1], $0x294, $0x38;
	[tilespmem:$0x3218] =	vst v63  }
0x1a: {  	_ =	swait.ge [sflag:s15], $0x294  }
0x1b: {  	[sflag:s15] =	ssyncset.done $0x0  }
0x1c: {  	[sflag:s15] =	ssyncadd.s32 $0xFFFFFD6C  }
0x1d: {  	[bflag:$0x0] =	sbarrier.arrive $0xFFFF  }
0x1e: {  	[tilespmem:s16], [sflag:$0x1] =	stream.linear.gather [spmem:s1], $0x2980, $0x38;
	[tilespmem:$0x3218] =	vst v63  }
0x1f: {  	_ =	swait.ge [sflag:s15], $0x2980  }
0x20: {  	[sflag:s15] =	ssyncset.done $0x0  }
0x21: {  	[sflag:s15] =	ssyncadd.s32 $0xFFFFD680  }
0x22: {  	_ =	swait.ge [sflag:s17], $0x200  }
0x23: {  	[sflag:s17] =	ssyncset.done $0x0  }
0x24: {  	[sflag:s17] =	ssyncadd.s32 $0xFFFFFE00  }
0x25: {  	_ =	swait.ge [sflag:s17], $0x200  }
0x26: {  	[sflag:s17] =	ssyncset.done $0x0  }
0x27: {  	s22 =	simm.s32 $0x0;
	[sflag:s17] =	ssyncadd.s32 $0xFFFFFE00  }
0x28: {  	v0 =	vld [tilespmem:s22+$0x2E18]  }
0x29: {  	v1 =	vld [tilespmem:s22+$0x2C18];
	_ =	sdelay $0x4  }
0x2a: {  	v3 =	vmul.u32 $0x3, v0;
	v4 =	vmul.u32 $0x3, v1;
	_ =	sdelay $0x1  }
0x2b: {  	v2 =	vadd.s32 $0x1194, v3  }
0x2c: {  	s21 =	simm.s32 $0x10;
	v5 =	vadd.s32 $0x1, v4  }
0x2d: {  	v0 =	vld [tilespmem:s21+$0x2C18];
	v7 =	vadd.s32 $0x1195, v3  }
0x2e: {  	v1 =	vld [tilespmem:s21+$0x2E18];
	v8 =	vadd.s32 $0x2, v4  }
0x2f: {  	v9 =	vadd.s32 $0x1196, v3;
	v4 =	vld.idx.msk [tilespmem:v4+s16+$0x0], $0xffff  }
0x30: {  	v2 =	vld.idx.msk [tilespmem:v2+s16+$0x0], $0xffff  }
0x31: {  	v6 =	vld.idx.msk [tilespmem:v5+s16+$0x0], $0xffff  }
0x32: {  	v7 =	vld.idx.msk [tilespmem:v7+s16+$0x0], $0xffff  }
0x33: {  	v3 =	vld.idx.msk [tilespmem:v8+s16+$0x0], $0xffff  }
0x34: {  	s23 =	simm.s32 $0x80;
	v5 =	vld.idx.msk [tilespmem:v9+s16+$0x0], $0xffff  }
.LBB2_2:
0x35: {  	p0 =	sne.s32 s23, $0x7C0;
	_ =	sdelay $0x1  }
0x36: {  	v8 =	vmul.u32 $0x3, v1;
	v1 =	vmul.f32 v2, v4;
	v2 =	vmul.f32 v7, v6  }
0x37: {  	v4 =	vmul.u32 $0x3, v0  }
0x38: {  	v6 =	vadd.s32 $0x1194, v8;
	v0 =	vadd.f32 v2, v1;
	v1 =	vmul.f32 v5, v3;
	_ =	sdelay $0x1  }
0x39: {  	s24 =	sshra.s32 s23, $0x2;
	v3 =	vadd.s32 $0x1, v4;
	v2 =	vadd.f32 v1, v0  }
0x3a: {  	v5 =	vadd.s32 $0x1195, v8;
	v0 =	vld [tilespmem:s24+$0x2C18]  }
0x3b: {  	v9 =	vadd.s32 $0x2, v4;
	v1 =	vld [tilespmem:s24+$0x2E18];
	[tilespmem:s22+$0x3018] =	vst v2;
	s22 =	smov.u32 s21;
	s21 =	smov.u32 s24  }
0x3c: {  	v8 =	vadd.s32 $0x1196, v8;
	v2 =	vld.idx.msk [tilespmem:v6+s16+$0x0], $0xffff  }
0x3d: {  	v4 =	vld.idx.msk [tilespmem:v4+s16+$0x0], $0xffff  }
.Ltmp0:
0x3e: {  	v6 =	vld.idx.msk [tilespmem:v3+s16+$0x0], $0xffff;
	(pc) =	sbr.rel @p0 .LBB2_2-.Ltmp0, $4  }
0x3f: {  	v7 =	vld.idx.msk [tilespmem:v5+s16+$0x0], $0xffff  }
0x40: {  	v3 =	vld.idx.msk [tilespmem:v9+s16+$0x0], $0xffff  }
0x41: {  	v5 =	vld.idx.msk [tilespmem:v8+s16+$0x0], $0xffff  }
0x42: {  	s23 =	sadd.s32 $0x40, s23  }
0x43: {  	_ = 	snop  }
0x44: {  	v1 =	vmul.u32 $0x3, v1;
	v2 =	vmul.f32 v2, v4;
	v58 =	vmul.f32 v7, v6  }
0x45: {  	v0 =	vmul.u32 $0x3, v0  }
0x46: {  	v59 =	vadd.s32 $0x1194, v1;
	v2 =	vadd.f32 v58, v2;
	v3 =	vmul.f32 v5, v3;
	_ =	sdelay $0x1  }
0x47: {  	v60 =	vadd.s32 $0x1, v0;
	v2 =	vadd.f32 v3, v2  }
0x48: {  	v61 =	vadd.s32 $0x1195, v1  }
0x49: {  	v62 =	vadd.s32 $0x2, v0;
	[tilespmem:s22+$0x3018] =	vst v2  }
0x4a: {  	v1 =	vadd.s32 $0x1196, v1;
	v2 =	vld.idx.msk [tilespmem:v59+s16+$0x0], $0xffff  }
0x4b: {  	v0 =	vld.idx.msk [tilespmem:v0+s16+$0x0], $0xffff  }
0x4c: {  	v4 =	vld.idx.msk [tilespmem:v60+s16+$0x0], $0xffff  }
0x4d: {  	v3 =	vld.idx.msk [tilespmem:v61+s16+$0x0], $0xffff  }
0x4e: {  	v5 =	vld.idx.msk [tilespmem:v62+s16+$0x0], $0xffff  }
0x4f: {  	v1 =	vld.idx.msk [tilespmem:v1+s16+$0x0], $0xffff;
	_ =	sdelay $0x2  }
0x50: {  	v0 =	vmul.f32 v2, v0;
	v63 =	vmul.f32 v3, v4;
	_ =	sdelay $0x1  }
0x51: {  	v1 =	vmul.f32 v1, v5;
	v0 =	vadd.f32 v63, v0;
	_ =	sdelay $0x1  }
0x52: {  	s20 =	sadd.s32 $0x1, s20;
	v0 =	vadd.f32 v1, v0  }
0x53: {  	p0 =	sne.s32 s20, s10  }
.Ltmp1:
0x54: {  	[tilespmem:s21+$0x3018] =	vst v0;
	(pc) =	sbr.rel @p0 .LBB2_1-.Ltmp1, $4  }
0x55: {  	[hbm4b:s9+s3] =	stream.linear.scatter [tilespmem:s18], [sflag:$0x3], $0x200, $0x38;
	[tilespmem:$0x3218] =	vst v63  }
0x56: {  	_ =	swait.ge [sflag:s19], $0x200  }
0x57: {  	[sflag:s19] =	ssyncset.done $0x0  }
0x58: {  	[sflag:s19] =	ssyncadd.s32 $0xFFFFFE00  }
0x59: {  	_ =	sfence.sel $0x180000  }
0x5a: {  	[bflag:$0x0] =	sbarrier.arrive $0xFFFF  }
0x5b: {  	p0 =	sne.s32 s2, $0x0;
	_ =	strace $0x90000047  }
0x5c: {  	s0 =	sadd.s32 @!p0 $0x100000, s0;
	[bflag:$0x2] =	sbarrier.arrive $0xFFFF  }
0x5d: {  	[sflag:s0] =	ssyncadd.tile.s32 @!p0 $0x1;
	_ =	shalt  }
.Lfunc_end2:
_tile_overlayer_lowered:
.L_overlay_start_2:
0x5e: {  	(tag) =	ssettag $0x2  }
0x5f: {  	s0 =	rddreg [dreg:$0x0];
	s2 =	stileid.u32  }
0x60: {  	s1 =	rddreg [dreg:$0x1];
	p0 =	sne.s32 s2, $0x0  }
0x61: {  	s3 =	rddreg [dreg:$0x2];
	[bflag:$0x3] =	sbarrier.arrive $0xFFFF;
	s2 =	simm.s32 @!p0 $0x1C03  }
0x62: {  	[timem:s3], [sflag:s2] =	dma.local @!p0 [hbm:s0], s1  }
0x63: {  	s0 =	simm.s32 @!p0 $0x3  }
0x64: {  	_ =	swait.ge @!p0 [sflag:s0], s1  }
0x65: {  	s1 =	ssub.s32 @!p0 $0x0, s1;
	[sflag:s0] =	ssyncset.done @!p0 $0x0  }
0x66: {  	[sflag:s0] =	ssyncadd.s32 @!p0 s1  }
0x67: {  	[bflag:$0x3] =	sbarrier.arrive $0xFFFF  }
0x68: {  	_ =	shalt  }

</sc_bundles>
